<compile_context>
chip_gen: v7x
topology: tpu7x:2x2x1
jax: 0.10.2.dev20260603
libtpu: 0.0.44.dev20260713+nightly
codegen_flags: <defaults>
</compile_context>

<pallas_src>
import functools
import jax
import jax.numpy as jnp
from jax import lax
from jax.experimental import pallas as pl
from jax.experimental.pallas import tpu as pltpu
from jax.experimental.pallas import tpu_sc as plsc

_B = 16
_BB = 2
_NB = _BB * 196
_D = 256
_K = 1024
_PATCH = 768
_N = 3136
_NPAD = 3328
_NC, _NS = 2, 16
_BPW = _NPAD // (_NC * _NS)

_HI = jax.lax.Precision.HIGHEST


def _enc_block(x_ref, we_ref, eb_ref, w_ref,
               z_ref, idx_ref, wt_ref):
    bf = jnp.bfloat16
    f32 = jnp.float32
    i = pl.program_id(0)

    x6 = x_ref[...].astype(bf).reshape(_BB, 3, 14, 16, 14, 16)
    p = x6.transpose(0, 2, 4, 1, 3, 5).reshape(_NB, _PATCH)
    z = jax.lax.dot_general(p, we_ref[...].astype(bf),
                            (((1,), (1,)), ((), ())),
                            preferred_element_type=f32) + eb_ref[...]
    z_ref[...] = z.reshape(_BB, 196, _D).transpose(0, 2, 1).reshape(
        _BB, _D, 14, 14)

    w = w_ref[...]
    wsq = jnp.sum(w * w, axis=0, keepdims=True)
    d = wsq - 2.0 * jnp.dot(z.astype(bf), w.astype(bf),
                            preferred_element_type=f32)
    am = jnp.argmin(d, axis=1).astype(jnp.int32)
    idx_ref[...] = am.reshape(_BB, 14, 14)

    @pl.when(i == 0)
    def _():
        wt_ref[...] = w.T


def _dec_block(q_ref, dw_ref, db_ref, rec_ref, emb_ref):
    bf = jnp.bfloat16
    f32 = jnp.float32
    q = q_ref[...]
    emb_ref[...] = q.reshape(_BB, 196, _D).transpose(0, 2, 1).reshape(
        _BB, _D, 14, 14)
    ri = jax.lax.broadcasted_iota(jnp.int32, (_D, _D), 0)
    ci = jax.lax.broadcasted_iota(jnp.int32, (_D, _D), 1)
    rev = (ri + ci == _D - 1).astype(f32)
    q16 = q.astype(bf)
    for c in range(3):
        rc = jnp.dot(q16, dw_ref[c].astype(bf), preferred_element_type=f32)
        rc = jnp.dot(rc, rev, preferred_element_type=f32, precision=_HI)
        rc = rc + db_ref[c:c + 1, :]
        rec_ref[:, c, :, :] = (rc.reshape(_BB, 14, 14, 16, 16)
                                 .transpose(0, 1, 3, 2, 4)
                                 .reshape(_BB, 224, 224))


def _sc_gather(table_hbm, idx_hbm, out_hbm, idx_v, rows_v, sem):
    wid = lax.axis_index("s") * _NC + lax.axis_index("c")
    base = wid * _BPW
    pltpu.sync_copy(idx_hbm.at[pl.ds(base, _BPW)], idx_v)
    pltpu.async_copy(table_hbm.at[idx_v], rows_v, sem).wait()
    pltpu.sync_copy(rows_v, out_hbm.at[pl.ds(base, _BPW)])


def kernel(x, enc_W, enc_b, emb_weight, dec_W, dec_b):
    xr = x.reshape(_B, 3, 14, 16, 224)
    we = enc_W.reshape(_D, _PATCH)
    eb = enc_b[None, :]
    dw = dec_W.reshape(3, _D, _D)
    db = jnp.broadcast_to(dec_b[:, None], (3, _D))

    nblk = _B // _BB
    z, idx, wt = pl.pallas_call(
        _enc_block,
        grid=(nblk,),
        in_specs=[
            pl.BlockSpec((_BB, 3, 14, 16, 224), lambda i: (i, 0, 0, 0, 0)),
            pl.BlockSpec((_D, _PATCH), lambda i: (0, 0)),
            pl.BlockSpec((1, _D), lambda i: (0, 0)),
            pl.BlockSpec((_D, _K), lambda i: (0, 0)),
        ],
        out_specs=[
            pl.BlockSpec((_BB, _D, 14, 14), lambda i: (i, 0, 0, 0)),
            pl.BlockSpec((_BB, 14, 14), lambda i: (i, 0, 0)),
            pl.BlockSpec((_K, _D), lambda i: (0, 0)),
        ],
        out_shape=[
            jax.ShapeDtypeStruct((_B, _D, 14, 14), jnp.float32),
            jax.ShapeDtypeStruct((_B, 14, 14), jnp.int32),
            jax.ShapeDtypeStruct((_K, _D), jnp.float32),
        ],
    )(xr, we, eb, emb_weight)

    idx_flat = jnp.concatenate(
        [idx.reshape(_N), jnp.zeros((_NPAD - _N,), jnp.int32)])

    mesh = plsc.VectorSubcoreMesh(core_axis_name="c", subcore_axis_name="s")
    qflat = pl.kernel(
        _sc_gather,
        out_type=jax.ShapeDtypeStruct((_NPAD, _D), jnp.float32),
        mesh=mesh,
        scratch_types=[
            pltpu.VMEM((_BPW,), jnp.int32),
            pltpu.VMEM((_BPW, _D), jnp.float32),
            pltpu.SemaphoreType.DMA,
        ],
    )(wt, idx_flat)

    rec, emb = pl.pallas_call(
        _dec_block,
        grid=(nblk,),
        in_specs=[
            pl.BlockSpec((_NB, _D), lambda i: (i, 0)),
            pl.BlockSpec((3, _D, _D), lambda i: (0, 0, 0)),
            pl.BlockSpec((3, _D), lambda i: (0, 0)),
        ],
        out_specs=[
            pl.BlockSpec((_BB, 3, 224, 224), lambda i: (i, 0, 0, 0)),
            pl.BlockSpec((_BB, _D, 14, 14), lambda i: (i, 0, 0, 0)),
        ],
        out_shape=[
            jax.ShapeDtypeStruct((_B, 3, 224, 224), jnp.float32),
            jax.ShapeDtypeStruct((_B, _D, 14, 14), jnp.float32),
        ],
    )(qflat, dw, db)
    return (rec, z, emb, idx)

# --- scband reference (transcript-rebuilt; emitter-appended) ---
"""Pipeline reference for scband-vq-cvae-40810779246798 (READ-ONLY COPY).

The authoritative reference and input builder live on the scoring server;
editing this copy changes nothing except your own understanding.
"""

import jax, jax.numpy as jnp
import numpy as np


def setup_inputs(seed: int = 0):
    key = jax.random.key(seed)
    ks = jax.random.split(key, 6)
    x = jax.random.normal(ks[0], (16, 3, 224, 224), dtype=jnp.float32)
    enc_W = jax.random.normal(ks[1], (256, 3, 16, 16), dtype=jnp.float32) * 0.02
    enc_b = jnp.zeros((256,), dtype=jnp.float32)
    emb_weight = jnp.fmod(jax.random.normal(ks[2], (256, 1024), dtype=jnp.float32) * 0.02, 0.04)
    dec_W = jax.random.normal(ks[3], (3, 256, 16, 16), dtype=jnp.float32) * 0.02
    dec_b = jnp.zeros((3,), dtype=jnp.float32)
    return {"x": x, "enc_W": enc_W, "enc_b": enc_b, "emb_weight": emb_weight, "dec_W": dec_W, "dec_b": dec_b}


def _encoder(x, W, b):
    y = jax.lax.conv_general_dilated(x, W, window_strides=(16, 16), padding='VALID',
                                     dimension_numbers=('NCHW', 'OIHW', 'NCHW'))
    return y + b[None, :, None, None]


def _decoder(z, W, b):
    y = jax.lax.conv_transpose(z, W, strides=(16, 16), padding='VALID',
                               dimension_numbers=('NCHW', 'OIHW', 'NCHW'))
    return y + b[None, :, None, None]


def _nearest_embed(x, weight):
    # x: (B, d, H, W); weight: (d, k)
    B_, d, H, W_ = x.shape
    xf = jnp.transpose(x, (0, 2, 3, 1)).reshape(-1, d)  # (N, d)
    dists = (jnp.sum(xf * xf, axis=1, keepdims=True)
             - 2.0 * (xf @ weight)
             + jnp.sum(weight * weight, axis=0, keepdims=True))  # (N, k)
    argmin = jnp.argmin(dists, axis=1)  # (N,)
    quant = jnp.take(weight, argmin, axis=1).T  # (N, d)
    quant = quant.reshape(B_, H, W_, d).transpose(0, 3, 1, 2)
    return quant, argmin.reshape(B_, H, W_)


def reference(x, enc_W, enc_b, emb_weight, dec_W, dec_b):
    z_e = _encoder(x, enc_W, enc_b)
    # embedding(z_e, weight_sg=True): stop-grad on weight, straight-through to input
    q, argmin = _nearest_embed(z_e, jax.lax.stop_gradient(emb_weight))
    z_q = z_e + jax.lax.stop_gradient(q - z_e)
    # embedding(z_e.detach()): stop-grad on input, grads flow to weight
    emb, _ = _nearest_embed(jax.lax.stop_gradient(z_e), emb_weight)
    recon = _decoder(z_q, dec_W, dec_b)
    return (recon, z_e, emb, argmin)

if __name__ == "__main__":
    import jax
    _d = setup_inputs()
    print(jax.jit(kernel)(*tuple(_d.values())))

</pallas_src>

<mosaic_0001>
#map = affine_map<(d0, d1) -> (0, 0)>
#map1 = affine_map<(d0, d1) -> (0)>
module attributes {stable_mosaic.version = 14 : i64} {
  func.func @_sc_gather(%arg0: i32, %arg1: i32, %arg2: memref<1024x256xf32, #tpu.memory_space<hbm>>, %arg3: memref<3328xi32, #tpu.memory_space<hbm>>, %arg4: memref<3328x256xf32, #tpu.memory_space<hbm>>, %arg5: memref<104xi32, #tpu.memory_space<vmem>>, %arg6: memref<104x256xf32, #tpu.memory_space<vmem>>, %arg7: memref<!tpu.dma_semaphore, #tpu.memory_space<semaphore_mem>>) attributes {dimension_semantics = [#tpu.dimension_semantics<core_parallel>, #tpu.dimension_semantics<subcore_parallel>], iteration_bounds = array<i64: 2, 16>, scalar_prefetch = 0 : i64, scratch_operands = 3 : i64, tpu.core_type = #tpu.core_type<sc_vector_subcore>, window_params = [{transform_indices = #map}, {transform_indices = #map1}, {transform_indices = #map}]} {
    %mul3A = arith.constant 2 : i32
    %mul3A_0 = arith.muli %arg1, %mul3A : i32
    %add3A = arith.addi %mul3A_0, %arg0 : i32
    %mul3A_1 = arith.constant 104 : i32
    %mul3A_2 = arith.muli %add3A, %mul3A_1 : i32
    "tpu.region"() ({
      %run_scoped3A = tpu.sem_alloc : memref<!tpu.dma_semaphore, #tpu.memory_space<semaphore_mem>>
      %dma_start3A_7 = tpu.memref_slice %arg3[%mul3A_2] : memref<3328xi32, #tpu.memory_space<hbm>> -> memref<104xi32, #tpu.memory_space<hbm>>
      %dma_start3A_8 = tpu.memref_slice %arg3[%mul3A_2] : memref<3328xi32, #tpu.memory_space<hbm>> -> memref<104xi32, #tpu.memory_space<hbm>>
      tpu.enqueue_dma source(%dma_start3A_8 : memref<104xi32, #tpu.memory_space<hbm>>) target(%arg5 : memref<104xi32, #tpu.memory_space<vmem>>) target_semaphore(%run_scoped3A : memref<!tpu.dma_semaphore, #tpu.memory_space<semaphore_mem>>)
      %dma_wait3A_9 = tpu.memref_slice %arg3[%mul3A_2] : memref<3328xi32, #tpu.memory_space<hbm>> -> memref<104xi32, #tpu.memory_space<hbm>>
      %dma_wait3A_10 = tpu.memref_slice %arg3[%mul3A_2] : memref<3328xi32, #tpu.memory_space<hbm>> -> memref<104xi32, #tpu.memory_space<hbm>>
      tpu.wait_dma2 semaphore(%run_scoped3A : memref<!tpu.dma_semaphore, #tpu.memory_space<semaphore_mem>>) src(%dma_wait3A_10 : memref<104xi32, #tpu.memory_space<hbm>>) dst(%arg5 : memref<104xi32, #tpu.memory_space<vmem>>)
      tpu.yield
    }) : () -> ()
    %dma_start3A = arith.constant 0 : i32
    %dma_start3A_3 = arith.constant 0 : i32
    %dma_start3A_4 = tpu.memref_slice %arg2[%dma_start3A, %dma_start3A_3] : memref<1024x256xf32, #tpu.memory_space<hbm>> -> memref<1024x256xf32, #tpu.memory_space<hbm>>
    tpu.enqueue_indirect_dma source(%dma_start3A_4 : memref<1024x256xf32, #tpu.memory_space<hbm>>) target(%arg6 : memref<104x256xf32, #tpu.memory_space<vmem>>) offsets(%arg5 : memref<104xi32, #tpu.memory_space<vmem>>) semaphore(%arg7 : memref<!tpu.dma_semaphore, #tpu.memory_space<semaphore_mem>>)
    %dma_wait3A = arith.constant 0 : i32
    %dma_wait3A_5 = arith.constant 0 : i32
    %dma_wait3A_6 = tpu.memref_slice %arg2[%dma_wait3A, %dma_wait3A_5] : memref<1024x256xf32, #tpu.memory_space<hbm>> -> memref<1024x256xf32, #tpu.memory_space<hbm>>
    tpu.wait_indirect_dma semaphore(%arg7 : memref<!tpu.dma_semaphore, #tpu.memory_space<semaphore_mem>>) src(%dma_wait3A_6 : memref<1024x256xf32, #tpu.memory_space<hbm>>) dst(%arg6 : memref<104x256xf32, #tpu.memory_space<vmem>>)
    "tpu.region"() ({
      %run_scoped3A = tpu.sem_alloc : memref<!tpu.dma_semaphore, #tpu.memory_space<semaphore_mem>>
      %dma_start3A_7 = arith.constant 0 : i32
      %dma_start3A_8 = tpu.memref_slice %arg4[%mul3A_2, %dma_start3A_7] : memref<3328x256xf32, #tpu.memory_space<hbm>> -> memref<104x256xf32, #tpu.memory_space<hbm>>
      %dma_start3A_9 = arith.constant 0 : i32
      %dma_start3A_10 = tpu.memref_slice %arg4[%mul3A_2, %dma_start3A_9] : memref<3328x256xf32, #tpu.memory_space<hbm>> -> memref<104x256xf32, #tpu.memory_space<hbm>>
      tpu.enqueue_dma source(%arg6 : memref<104x256xf32, #tpu.memory_space<vmem>>) target(%dma_start3A_10 : memref<104x256xf32, #tpu.memory_space<hbm>>) target_semaphore(%run_scoped3A : memref<!tpu.dma_semaphore, #tpu.memory_space<semaphore_mem>>)
      %dma_wait3A_11 = arith.constant 0 : i32
      %dma_wait3A_12 = tpu.memref_slice %arg4[%mul3A_2, %dma_wait3A_11] : memref<3328x256xf32, #tpu.memory_space<hbm>> -> memref<104x256xf32, #tpu.memory_space<hbm>>
      %dma_wait3A_13 = arith.constant 0 : i32
      %dma_wait3A_14 = tpu.memref_slice %arg4[%mul3A_2, %dma_wait3A_13] : memref<3328x256xf32, #tpu.memory_space<hbm>> -> memref<104x256xf32, #tpu.memory_space<hbm>>
      tpu.wait_dma2 semaphore(%run_scoped3A : memref<!tpu.dma_semaphore, #tpu.memory_space<semaphore_mem>>) src(%arg6 : memref<104x256xf32, #tpu.memory_space<vmem>>) dst(%dma_wait3A_14 : memref<104x256xf32, #tpu.memory_space<hbm>>)
      tpu.yield
    }) : () -> ()
    return
  }
}

module attributes {stable_mosaic.version = 14 : i64} {
  func.func @_enc_block(%arg0: i32, %arg1: memref<2x3x14x16x224xf32, #tpu.memory_space<vmem>>, %arg2: memref<256x768xf32, #tpu.memory_space<vmem>>, %arg3: memref<1x256xf32, #tpu.memory_space<vmem>>, %arg4: memref<256x1024xf32, #tpu.memory_space<vmem>>, %arg5: memref<2x256x14x14xf32, #tpu.memory_space<vmem>>, %arg6: memref<2x14x14xi32, #tpu.memory_space<vmem>>, %arg7: memref<1024x256xf32, #tpu.memory_space<vmem>>) attributes {dimension_semantics = [#tpu.dimension_semantics<arbitrary>], iteration_bounds = array<i64: 8>, scalar_prefetch = 0 : i64, scratch_operands = 0 : i64, tpu.core_type = #tpu.core_type<tc>, window_params = [{transform_indices = @transform_0, window_bounds = array<i64: 2, 3, 14, 16, 224>}, {pipeline_mode = #tpu.pipeline_mode<synchronous>, transform_indices = @transform_1, window_bounds = array<i64: 256, 768>}, {pipeline_mode = #tpu.pipeline_mode<synchronous>, transform_indices = @transform_2, window_bounds = array<i64: 1, 256>}, {pipeline_mode = #tpu.pipeline_mode<synchronous>, transform_indices = @transform_3, window_bounds = array<i64: 256, 1024>}, {transform_indices = @transform_4, window_bounds = array<i64: 2, 256, 14, 14>}, {transform_indices = @transform_5, window_bounds = array<i64: 2, 14, 14>}, {pipeline_mode = #tpu.pipeline_mode<synchronous>, transform_indices = @transform_6, window_bounds = array<i64: 1024, 256>}]} {
    %get3A = arith.constant 0 : index
    %get3A_0 = arith.constant 0 : index
    %get3A_1 = arith.constant 0 : index
    %get3A_2 = arith.constant 0 : index
    %get3A_3 = arith.constant 0 : index
    %get3A_4 = vector.load %arg1[%get3A, %get3A_0, %get3A_1, %get3A_2, %get3A_3] : memref<2x3x14x16x224xf32, #tpu.memory_space<vmem>>, vector<2x3x14x16x224xf32>
    %convert_element_type3A = arith.truncf %get3A_4 : vector<2x3x14x16x224xf32> to vector<2x3x14x16x224xbf16>
    %reshape3A = vector.shape_cast %convert_element_type3A : vector<2x3x14x16x224xbf16> to vector<2x3x14x16x14x16xbf16>
    %transpose3A = tpu.transpose %reshape3A, [0, 2, 4, 1, 3, 5] : vector<2x3x14x16x14x16xbf16> -> vector<2x14x14x3x16x16xbf16>
    %reshape3A_5 = vector.shape_cast %transpose3A : vector<2x14x14x3x16x16xbf16> to vector<392x768xbf16>
    %get3A_6 = arith.constant 0 : index
    %get3A_7 = arith.constant 0 : index
    %get3A_8 = vector.load %arg2[%get3A_6, %get3A_7] : memref<256x768xf32, #tpu.memory_space<vmem>>, vector<256x768xf32>
    %convert_element_type3A_9 = arith.truncf %get3A_8 : vector<256x768xf32> to vector<256x768xbf16>
    %dot_general3A = arith.constant dense<0.000000e+00> : vector<392x256xf32>
    %dot_general3A_10 = tpu.matmul %reshape3A_5, %convert_element_type3A_9, %dot_general3A {dimension_numbers = #tpu.dot_dimension_numbers<[1], [1], [0], [0], [0, 0, 1, 0], [], []>, transpose_lhs_hint = false} : vector<392x768xbf16>, vector<256x768xbf16>, vector<392x256xf32> -> vector<392x256xf32>
    %get3A_11 = arith.constant 0 : index
    %get3A_12 = arith.constant 0 : index
    %get3A_13 = vector.load %arg3[%get3A_11, %get3A_12] : memref<1x256xf32, #tpu.memory_space<vmem>>, vector<1x256xf32>
    %add3A = vector.broadcast %get3A_13 : vector<1x256xf32> to vector<392x256xf32>
    %add3A_14 = arith.addf %dot_general3A_10, %add3A : vector<392x256xf32>
    %reshape3A_15 = vector.shape_cast %add3A_14 : vector<392x256xf32> to vector<2x196x256xf32>
    %transpose3A_16 = tpu.transpose %reshape3A_15, [0, 2, 1] : vector<2x196x256xf32> -> vector<2x256x196xf32>
    %reshape3A_17 = vector.shape_cast %transpose3A_16 : vector<2x256x196xf32> to vector<2x256x14x14xf32>
    %swap3A = arith.constant 0 : index
    %swap3A_18 = arith.constant 0 : index
    %swap3A_19 = arith.constant 0 : index
    %swap3A_20 = arith.constant 0 : index
    %swap3A_21 = vector.load %arg5[%swap3A, %swap3A_18, %swap3A_19, %swap3A_20] : memref<2x256x14x14xf32, #tpu.memory_space<vmem>>, vector<2x256x14x14xf32>
    tpu.vector_store %arg5[%swap3A, %swap3A_18, %swap3A_19, %swap3A_20], %reshape3A_17 {strides = array<i32>} : memref<2x256x14x14xf32, #tpu.memory_space<vmem>>, vector<2x256x14x14xf32>,
    %get3A_22 = arith.constant 0 : index
    %get3A_23 = arith.constant 0 : index
    %get3A_24 = vector.load %arg4[%get3A_22, %get3A_23] : memref<256x1024xf32, #tpu.memory_space<vmem>>, vector<256x1024xf32>
    %mul3A = arith.mulf %get3A_24, %get3A_24 : vector<256x1024xf32>
    %reduce_sum3A = arith.constant dense<0.000000e+00> : vector<1024xf32>
    %reduce_sum3A_25 = vector.multi_reduction <add>, %mul3A, %reduce_sum3A [0] : vector<256x1024xf32> to vector<1024xf32>
    %broadcast_in_dim3A = vector.shape_cast %reduce_sum3A_25 : vector<1024xf32> to vector<1x1024xf32>
    %convert_element_type3A_26 = arith.truncf %add3A_14 : vector<392x256xf32> to vector<392x256xbf16>
    %convert_element_type3A_27 = arith.truncf %get3A_24 : vector<256x1024xf32> to vector<256x1024xbf16>
    %dot_general3A_28 = arith.constant dense<0.000000e+00> : vector<392x1024xf32>
    %dot_general3A_29 = tpu.matmul %convert_element_type3A_26, %convert_element_type3A_27, %dot_general3A_28 {dimension_numbers = #tpu.dot_dimension_numbers<[1], [0], [0], [1], [0, 0, 1, 1], [], []>, transpose_lhs_hint = false} : vector<392x256xbf16>, vector<256x1024xbf16>, vector<392x1024xf32> -> vector<392x1024xf32>
    %mul3A_30 = arith.constant 2.000000e+00 : f32
    %mul3A_31 = vector.broadcast %mul3A_30 : f32 to vector<392x1024xf32>
    %mul3A_32 = arith.mulf %mul3A_31, %dot_general3A_29 : vector<392x1024xf32>
    %sub3A = vector.broadcast %broadcast_in_dim3A : vector<1x1024xf32> to vector<392x1024xf32>
    %sub3A_33 = arith.subf %sub3A, %mul3A_32 : vector<392x1024xf32>
    %argmin3A = tpu.reduce_index %sub3A_33 {axis = 1 : i32, kind = #tpu.reduction_kind<arg_min>} : vector<392x1024xf32> -> vector<392xi32>
    %reshape3A_34 = vector.shape_cast %argmin3A : vector<392xi32> to vector<2x14x14xi32>
    %swap3A_35 = arith.constant 0 : index
    %swap3A_36 = arith.constant 0 : index
    %swap3A_37 = arith.constant 0 : index
    %swap3A_38 = vector.load %arg6[%swap3A_35, %swap3A_36, %swap3A_37] : memref<2x14x14xi32, #tpu.memory_space<vmem>>, vector<2x14x14xi32>
    tpu.vector_store %arg6[%swap3A_35, %swap3A_36, %swap3A_37], %reshape3A_34 {strides = array<i32>} : memref<2x14x14xi32, #tpu.memory_space<vmem>>, vector<2x14x14xi32>,
    %eq3A = arith.constant 0 : i32
    %eq3A_39 = arith.cmpi eq, %arg0, %eq3A : i32
    %convert_element_type3A_40 = arith.extui %eq3A_39 : i1 to i32
    %cond3A = arith.constant 0 : i32
    %cond3A_41 = arith.cmpi ne, %convert_element_type3A_40, %cond3A : i32
    scf.if %cond3A_41 {
      %transpose3A_42 = tpu.transpose %get3A_24, [1, 0] : vector<256x1024xf32> -> vector<1024x256xf32>
      %swap3A_43 = arith.constant 0 : index
      %swap3A_44 = arith.constant 0 : index
      %swap3A_45 = vector.load %arg7[%swap3A_43, %swap3A_44] : memref<1024x256xf32, #tpu.memory_space<vmem>>, vector<1024x256xf32>
      tpu.vector_store %arg7[%swap3A_43, %swap3A_44], %transpose3A_42 {strides = array<i32>} : memref<1024x256xf32, #tpu.memory_space<vmem>>, vector<1024x256xf32>,
    } else {
    }
    return
  }
  func.func @transform_0(%arg0: i32) -> (i32, i32, i32, i32, i32) {
    %c0_i32 = arith.constant 0 : i32
    %c0_i32_0 = arith.constant 0 : i32
    %c0_i32_1 = arith.constant 0 : i32
    %c0_i32_2 = arith.constant 0 : i32
    %c0_i32_3 = arith.constant 0 : i32
    return %arg0, %c0_i32, %c0_i32_0, %c0_i32_1, %c0_i32_2 : i32, i32, i32, i32, i32
  }
  func.func @transform_1(%arg0: i32) -> (i32, i32) {
    %c0_i32 = arith.constant 0 : i32
    %c0_i32_0 = arith.constant 0 : i32
    %c0_i32_1 = arith.constant 0 : i32
    return %c0_i32, %c0_i32_0 : i32, i32
  }
  func.func @transform_2(%arg0: i32) -> (i32, i32) {
    %c0_i32 = arith.constant 0 : i32
    %c0_i32_0 = arith.constant 0 : i32
    %c0_i32_1 = arith.constant 0 : i32
    return %c0_i32, %c0_i32_0 : i32, i32
  }
  func.func @transform_3(%arg0: i32) -> (i32, i32) {
    %c0_i32 = arith.constant 0 : i32
    %c0_i32_0 = arith.constant 0 : i32
    %c0_i32_1 = arith.constant 0 : i32
    return %c0_i32, %c0_i32_0 : i32, i32
  }
  func.func @transform_4(%arg0: i32) -> (i32, i32, i32, i32) {
    %c0_i32 = arith.constant 0 : i32
    %c0_i32_0 = arith.constant 0 : i32
    %c0_i32_1 = arith.constant 0 : i32
    %c0_i32_2 = arith.constant 0 : i32
    return %arg0, %c0_i32, %c0_i32_0, %c0_i32_1 : i32, i32, i32, i32
  }
  func.func @transform_5(%arg0: i32) -> (i32, i32, i32) {
    %c0_i32 = arith.constant 0 : i32
    %c0_i32_0 = arith.constant 0 : i32
    %c0_i32_1 = arith.constant 0 : i32
    return %arg0, %c0_i32, %c0_i32_0 : i32, i32, i32
  }
  func.func @transform_6(%arg0: i32) -> (i32, i32) {
    %c0_i32 = arith.constant 0 : i32
    %c0_i32_0 = arith.constant 0 : i32
    %c0_i32_1 = arith.constant 0 : i32
    return %c0_i32, %c0_i32_0 : i32, i32
  }
}

module attributes {stable_mosaic.version = 14 : i64} {
  func.func @_dec_block(%arg0: i32, %arg1: memref<392x256xf32, #tpu.memory_space<vmem>>, %arg2: memref<3x256x256xf32, #tpu.memory_space<vmem>>, %arg3: memref<3x256xf32, #tpu.memory_space<vmem>>, %arg4: memref<2x3x224x224xf32, #tpu.memory_space<vmem>>, %arg5: memref<2x256x14x14xf32, #tpu.memory_space<vmem>>) attributes {dimension_semantics = [#tpu.dimension_semantics<arbitrary>], iteration_bounds = array<i64: 8>, scalar_prefetch = 0 : i64, scratch_operands = 0 : i64, tpu.core_type = #tpu.core_type<tc>, window_params = [{transform_indices = @transform_0, window_bounds = array<i64: 392, 256>}, {pipeline_mode = #tpu.pipeline_mode<synchronous>, transform_indices = @transform_1, window_bounds = array<i64: 3, 256, 256>}, {pipeline_mode = #tpu.pipeline_mode<synchronous>, transform_indices = @transform_2, window_bounds = array<i64: 3, 256>}, {transform_indices = @transform_3, window_bounds = array<i64: 2, 3, 224, 224>}, {transform_indices = @transform_4, window_bounds = array<i64: 2, 256, 14, 14>}]} {
    %get3A = arith.constant 0 : index
    %get3A_0 = arith.constant 0 : index
    %get3A_1 = vector.load %arg1[%get3A, %get3A_0] : memref<392x256xf32, #tpu.memory_space<vmem>>, vector<392x256xf32>
    %reshape3A = vector.shape_cast %get3A_1 : vector<392x256xf32> to vector<2x196x256xf32>
    %transpose3A = tpu.transpose %reshape3A, [0, 2, 1] : vector<2x196x256xf32> -> vector<2x256x196xf32>
    %reshape3A_2 = vector.shape_cast %transpose3A : vector<2x256x196xf32> to vector<2x256x14x14xf32>
    %swap3A = arith.constant 0 : index
    %swap3A_3 = arith.constant 0 : index
    %swap3A_4 = arith.constant 0 : index
    %swap3A_5 = arith.constant 0 : index
    %swap3A_6 = vector.load %arg5[%swap3A, %swap3A_3, %swap3A_4, %swap3A_5] : memref<2x256x14x14xf32, #tpu.memory_space<vmem>>, vector<2x256x14x14xf32>
    tpu.vector_store %arg5[%swap3A, %swap3A_3, %swap3A_4, %swap3A_5], %reshape3A_2 {strides = array<i32>} : memref<2x256x14x14xf32, #tpu.memory_space<vmem>>, vector<2x256x14x14xf32>,
    %iota3A = tpu.iota {dimensions = array<i32: 0>} : vector<256x256xi32>
    %iota3A_7 = tpu.iota {dimensions = array<i32: 1>} : vector<256x256xi32>
    %add3A = arith.addi %iota3A, %iota3A_7 : vector<256x256xi32>
    %eq3A = arith.constant 255 : i32
    %eq3A_8 = vector.broadcast %eq3A : i32 to vector<256x256xi32>
    %eq3A_9 = arith.cmpi eq, %add3A, %eq3A_8 : vector<256x256xi32>
    %convert_element_type3A = arith.extui %eq3A_9 : vector<256x256xi1> to vector<256x256xi32>
    %convert_element_type3A_10 = arith.sitofp %convert_element_type3A : vector<256x256xi32> to vector<256x256xf32>
    %convert_element_type3A_11 = arith.truncf %get3A_1 : vector<392x256xf32> to vector<392x256xbf16>
    %get3A_12 = arith.constant 0 : index
    %get3A_13 = arith.constant 0 : index
    %get3A_14 = arith.constant 0 : index
    %get3A_15 = vector.load %arg2[%get3A_12, %get3A_13, %get3A_14] : memref<3x256x256xf32, #tpu.memory_space<vmem>>, vector<1x256x256xf32>
    %get3A_16 = vector.shape_cast %get3A_15 : vector<1x256x256xf32> to vector<256x256xf32>
    %convert_element_type3A_17 = arith.truncf %get3A_16 : vector<256x256xf32> to vector<256x256xbf16>
    %dot_general3A = arith.constant dense<0.000000e+00> : vector<392x256xf32>
    %dot_general3A_18 = tpu.matmul %convert_element_type3A_11, %convert_element_type3A_17, %dot_general3A {dimension_numbers = #tpu.dot_dimension_numbers<[1], [0], [0], [1], [0, 0, 1, 1], [], []>, transpose_lhs_hint = false} : vector<392x256xbf16>, vector<256x256xbf16>, vector<392x256xf32> -> vector<392x256xf32>
    %dot_general3A_19 = arith.constant dense<0.000000e+00> : vector<392x256xf32>
    %dot_general3A_20 = tpu.matmul %dot_general3A_18, %convert_element_type3A_10, %dot_general3A_19 {dimension_numbers = #tpu.dot_dimension_numbers<[1], [0], [0], [1], [0, 0, 1, 1], [], []>, precision = #tpu.contract_precision<fp32>, transpose_lhs_hint = false} : vector<392x256xf32>, vector<256x256xf32>, vector<392x256xf32> -> vector<392x256xf32>
    %get3A_21 = arith.constant 0 : index
    %get3A_22 = arith.constant 0 : index
    %get3A_23 = vector.load %arg3[%get3A_21, %get3A_22] : memref<3x256xf32, #tpu.memory_space<vmem>>, vector<1x256xf32>
    %add3A_24 = vector.broadcast %get3A_23 : vector<1x256xf32> to vector<392x256xf32>
    %add3A_25 = arith.addf %dot_general3A_20, %add3A_24 : vector<392x256xf32>
    %reshape3A_26 = vector.shape_cast %add3A_25 : vector<392x256xf32> to vector<2x14x14x16x16xf32>
    %transpose3A_27 = tpu.transpose %reshape3A_26, [0, 1, 3, 2, 4] : vector<2x14x14x16x16xf32> -> vector<2x14x16x14x16xf32>
    %reshape3A_28 = vector.shape_cast %transpose3A_27 : vector<2x14x16x14x16xf32> to vector<2x224x224xf32>
    %swap3A_29 = arith.constant 0 : index
    %swap3A_30 = arith.constant 0 : index
    %swap3A_31 = arith.constant 0 : index
    %swap3A_32 = arith.constant 0 : index
    %swap3A_33 = vector.load %arg4[%swap3A_29, %swap3A_30, %swap3A_31, %swap3A_32] : memref<2x3x224x224xf32, #tpu.memory_space<vmem>>, vector<2x1x224x224xf32>
    %swap3A_34 = vector.shape_cast %swap3A_33 : vector<2x1x224x224xf32> to vector<2x224x224xf32>
    %swap3A_35 = vector.shape_cast %reshape3A_28 : vector<2x224x224xf32> to vector<2x1x224x224xf32>
    tpu.vector_store %arg4[%swap3A_29, %swap3A_30, %swap3A_31, %swap3A_32], %swap3A_35 {strides = array<i32>} : memref<2x3x224x224xf32, #tpu.memory_space<vmem>>, vector<2x1x224x224xf32>,
    %get3A_36 = arith.constant 1 : index
    %get3A_37 = arith.constant 0 : index
    %get3A_38 = arith.constant 0 : index
    %get3A_39 = vector.load %arg2[%get3A_36, %get3A_37, %get3A_38] : memref<3x256x256xf32, #tpu.memory_space<vmem>>, vector<1x256x256xf32>
    %get3A_40 = vector.shape_cast %get3A_39 : vector<1x256x256xf32> to vector<256x256xf32>
    %convert_element_type3A_41 = arith.truncf %get3A_40 : vector<256x256xf32> to vector<256x256xbf16>
    %dot_general3A_42 = arith.constant dense<0.000000e+00> : vector<392x256xf32>
    %dot_general3A_43 = tpu.matmul %convert_element_type3A_11, %convert_element_type3A_41, %dot_general3A_42 {dimension_numbers = #tpu.dot_dimension_numbers<[1], [0], [0], [1], [0, 0, 1, 1], [], []>, transpose_lhs_hint = false} : vector<392x256xbf16>, vector<256x256xbf16>, vector<392x256xf32> -> vector<392x256xf32>
    %dot_general3A_44 = arith.constant dense<0.000000e+00> : vector<392x256xf32>
    %dot_general3A_45 = tpu.matmul %dot_general3A_43, %convert_element_type3A_10, %dot_general3A_44 {dimension_numbers = #tpu.dot_dimension_numbers<[1], [0], [0], [1], [0, 0, 1, 1], [], []>, precision = #tpu.contract_precision<fp32>, transpose_lhs_hint = false} : vector<392x256xf32>, vector<256x256xf32>, vector<392x256xf32> -> vector<392x256xf32>
    %get3A_46 = arith.constant 1 : index
    %get3A_47 = arith.constant 0 : index
    %get3A_48 = vector.load %arg3[%get3A_46, %get3A_47] : memref<3x256xf32, #tpu.memory_space<vmem>>, vector<1x256xf32>
    %add3A_49 = vector.broadcast %get3A_48 : vector<1x256xf32> to vector<392x256xf32>
    %add3A_50 = arith.addf %dot_general3A_45, %add3A_49 : vector<392x256xf32>
    %reshape3A_51 = vector.shape_cast %add3A_50 : vector<392x256xf32> to vector<2x14x14x16x16xf32>
    %transpose3A_52 = tpu.transpose %reshape3A_51, [0, 1, 3, 2, 4] : vector<2x14x14x16x16xf32> -> vector<2x14x16x14x16xf32>
    %reshape3A_53 = vector.shape_cast %transpose3A_52 : vector<2x14x16x14x16xf32> to vector<2x224x224xf32>
    %swap3A_54 = arith.constant 0 : index
    %swap3A_55 = arith.constant 1 : index
    %swap3A_56 = arith.constant 0 : index
    %swap3A_57 = arith.constant 0 : index
    %swap3A_58 = vector.load %arg4[%swap3A_54, %swap3A_55, %swap3A_56, %swap3A_57] : memref<2x3x224x224xf32, #tpu.memory_space<vmem>>, vector<2x1x224x224xf32>
    %swap3A_59 = vector.shape_cast %swap3A_58 : vector<2x1x224x224xf32> to vector<2x224x224xf32>
    %swap3A_60 = vector.shape_cast %reshape3A_53 : vector<2x224x224xf32> to vector<2x1x224x224xf32>
    tpu.vector_store %arg4[%swap3A_54, %swap3A_55, %swap3A_56, %swap3A_57], %swap3A_60 {strides = array<i32>} : memref<2x3x224x224xf32, #tpu.memory_space<vmem>>, vector<2x1x224x224xf32>,
    %get3A_61 = arith.constant 2 : index
    %get3A_62 = arith.constant 0 : index
    %get3A_63 = arith.constant 0 : index
    %get3A_64 = vector.load %arg2[%get3A_61, %get3A_62, %get3A_63] : memref<3x256x256xf32, #tpu.memory_space<vmem>>, vector<1x256x256xf32>
    %get3A_65 = vector.shape_cast %get3A_64 : vector<1x256x256xf32> to vector<256x256xf32>
    %convert_element_type3A_66 = arith.truncf %get3A_65 : vector<256x256xf32> to vector<256x256xbf16>
    %dot_general3A_67 = arith.constant dense<0.000000e+00> : vector<392x256xf32>
    %dot_general3A_68 = tpu.matmul %convert_element_type3A_11, %convert_element_type3A_66, %dot_general3A_67 {dimension_numbers = #tpu.dot_dimension_numbers<[1], [0], [0], [1], [0, 0, 1, 1], [], []>, transpose_lhs_hint = false} : vector<392x256xbf16>, vector<256x256xbf16>, vector<392x256xf32> -> vector<392x256xf32>
    %dot_general3A_69 = arith.constant dense<0.000000e+00> : vector<392x256xf32>
    %dot_general3A_70 = tpu.matmul %dot_general3A_68, %convert_element_type3A_10, %dot_general3A_69 {dimension_numbers = #tpu.dot_dimension_numbers<[1], [0], [0], [1], [0, 0, 1, 1], [], []>, precision = #tpu.contract_precision<fp32>, transpose_lhs_hint = false} : vector<392x256xf32>, vector<256x256xf32>, vector<392x256xf32> -> vector<392x256xf32>
    %get3A_71 = arith.constant 2 : index
    %get3A_72 = arith.constant 0 : index
    %get3A_73 = vector.load %arg3[%get3A_71, %get3A_72] : memref<3x256xf32, #tpu.memory_space<vmem>>, vector<1x256xf32>
    %add3A_74 = vector.broadcast %get3A_73 : vector<1x256xf32> to vector<392x256xf32>
    %add3A_75 = arith.addf %dot_general3A_70, %add3A_74 : vector<392x256xf32>
    %reshape3A_76 = vector.shape_cast %add3A_75 : vector<392x256xf32> to vector<2x14x14x16x16xf32>
    %transpose3A_77 = tpu.transpose %reshape3A_76, [0, 1, 3, 2, 4] : vector<2x14x14x16x16xf32> -> vector<2x14x16x14x16xf32>
    %reshape3A_78 = vector.shape_cast %transpose3A_77 : vector<2x14x16x14x16xf32> to vector<2x224x224xf32>
    %swap3A_79 = arith.constant 0 : index
    %swap3A_80 = arith.constant 2 : index
    %swap3A_81 = arith.constant 0 : index
    %swap3A_82 = arith.constant 0 : index
    %swap3A_83 = vector.load %arg4[%swap3A_79, %swap3A_80, %swap3A_81, %swap3A_82] : memref<2x3x224x224xf32, #tpu.memory_space<vmem>>, vector<2x1x224x224xf32>
    %swap3A_84 = vector.shape_cast %swap3A_83 : vector<2x1x224x224xf32> to vector<2x224x224xf32>
    %swap3A_85 = vector.shape_cast %reshape3A_78 : vector<2x224x224xf32> to vector<2x1x224x224xf32>
    tpu.vector_store %arg4[%swap3A_79, %swap3A_80, %swap3A_81, %swap3A_82], %swap3A_85 {strides = array<i32>} : memref<2x3x224x224xf32, #tpu.memory_space<vmem>>, vector<2x1x224x224xf32>,
    return
  }
  func.func @transform_0(%arg0: i32) -> (i32, i32) {
    %c0_i32 = arith.constant 0 : i32
    %c0_i32_0 = arith.constant 0 : i32
    return %arg0, %c0_i32 : i32, i32
  }
  func.func @transform_1(%arg0: i32) -> (i32, i32, i32) {
    %c0_i32 = arith.constant 0 : i32
    %c0_i32_0 = arith.constant 0 : i32
    %c0_i32_1 = arith.constant 0 : i32
    %c0_i32_2 = arith.constant 0 : i32
    return %c0_i32, %c0_i32_0, %c0_i32_1 : i32, i32, i32
  }
  func.func @transform_2(%arg0: i32) -> (i32, i32) {
    %c0_i32 = arith.constant 0 : i32
    %c0_i32_0 = arith.constant 0 : i32
    %c0_i32_1 = arith.constant 0 : i32
    return %c0_i32, %c0_i32_0 : i32, i32
  }
  func.func @transform_3(%arg0: i32) -> (i32, i32, i32, i32) {
    %c0_i32 = arith.constant 0 : i32
    %c0_i32_0 = arith.constant 0 : i32
    %c0_i32_1 = arith.constant 0 : i32
    %c0_i32_2 = arith.constant 0 : i32
    return %arg0, %c0_i32, %c0_i32_0, %c0_i32_1 : i32, i32, i32, i32
  }
  func.func @transform_4(%arg0: i32) -> (i32, i32, i32, i32) {
    %c0_i32 = arith.constant 0 : i32
    %c0_i32_0 = arith.constant 0 : i32
    %c0_i32_1 = arith.constant 0 : i32
    %c0_i32_2 = arith.constant 0 : i32
    return %arg0, %c0_i32, %c0_i32_0, %c0_i32_1 : i32, i32, i32, i32
  }
}

</mosaic_0001>

<sc_bundles>
// kernel: kernel.5.cloned.1.call-start
scs
__scs_entry_jumppad:
0x0: {  	(pc) =	sbr.rel $0x88, $3  }
0x1: {  	(tag) =	ssettag $0x0;
	lr =	simm.s32 $0x1  }
0x2: {  	[smem:$0x3F9B] =	sst lr;
	_ =	strace $0xD0000000  }
0x3: {  	_ = 	snop  }
0x4: {  	_ = 	snop  }
0x5: {  	_ = 	snop  }
0x6: {  	_ = 	snop  }
0x7: {  	_ = 	snop  }
__scs_overlays_trampoline_lowered:
0x8: {  	[smem:$0x3FAA] =	sst s0  }
0x9: {  	[smem:$0x3FAB] =	sst s1  }
0xa: {  	[smem:$0x3FAC] =	sst s2  }
0xb: {  	[smem:$0x3FAD] =	sst s3  }
0xc: {  	[smem:$0x3FAE] =	sst s4  }
0xd: {  	[smem:$0x3FAF] =	sst s5  }
0xe: {  	[smem:$0x3FB0] =	sst s6  }
0xf: {  	[smem:$0x3FB1] =	sst s7  }
0x10: {  	[smem:$0x3FB2] =	sst s8  }
0x11: {  	[smem:$0x3FB3] =	sst s9;
	s0 =	simm.s32 @!p0 $0x0  }
0x12: {  	s1 =	sld [smem:$0x3F99];
	s0 =	simm.s32 @p0 $0x1  }
0x13: {  	[smem:$0x3FB4] =	sst s0;
	s0 =	simm.s32 @!p1 $0x0  }
0x14: {  	s2 =	sld [smem:$0x3F98];
	s0 =	simm.s32 @p1 $0x1  }
0x15: {  	[smem:$0x3FB5] =	sst s0;
	s0 =	simm.s32 @!p2 $0x0  }
0x16: {  	s3 =	sld [smem:$0x3FDB];
	s0 =	simm.s32 @p2 $0x1  }
0x17: {  	s4 =	simm.s32 $0x1BF5;
	[smem:$0x3FB7] =	sst s0  }
0x18: {  	s0 =	sld [smem:$0x3F9A];
	_ =	swait.ge [sflag:s4], $0x0  }
0x19: {  	s7 =	sld [smem:$0x3F9B]  }
0x1a: {  	s8 =	sadd.s32 $0xFFFFE003, lr  }
0x1b: {  	s9 =	sadd.s32 $0xFFFFFEF7, lr;
	s5 =	simm.s32 $0xFFFFFFFF;
	p2 =	slt.u32 s8, $0xFFFFF086  }
0x1c: {  	p1 =	slt.u32 s9, $0xF7A;
	s5 =	simm.s32 @!p2 $0x0  }
0x1d: {  	s5 =	simm.s32 @p1 $0x1;
	p0 =	seq.s32 s7, s2  }
0x1e: {  	s7 =	smul.u32 @!p0 $0xF7A, s2;
	p2 =	seq.s32 @!p0 s5, $0x0  }
0x1f: {  	s9 =	smul.u32 $0xF7A, s1;
	s8 =	simm.s32 @!p0 $0x1BF5;
	p2 =	por !p2, p0  }
0x20: {  	[sflag:s8] =	ssyncset.s32 @!p0 $0xFFFFF086;
	s6 =	sadd.s32 @!p0 s3, s7;
	s7 =	simm.s32 @!p0 $0x108  }
0x21: {  	s3 =	sadd.s32 s3, s9;
	s6 =	sadd.s32 @!p0 $0x88, s6;
	s7 =	simm.s32 @p2 $0x1082  }
0x22: {  	[simem:s7], [sflag:s8] =	dma.local @!p0 [hbm:s6], $0xF7A  }
0x23: {  	s9 =	sor.u32 $0xD0000000, s2;
	s6 =	simm.s32 $0x108;
	_ =	swait.ge @!p0 [sflag:s8], $0x0  }
0x24: {  	s3 =	sadd.s32 $0x88, s3;
	s6 =	simm.s32 @!p1 $0x1082;
	[sflag:s4] =	ssyncset.s32 $0xFFFFF086  }
0x25: {  	[simem:s6], [sflag:s4] =	dma.local [hbm:s3], $0xF7A  }
0x26: {  	[smem:$0x3F9B] =	sst s1;
	(tag) =	ssettag s2;
	_ =	strace s9  }
0x27: {  	s1 =	sld [smem:$0x3FAB]  }
0x28: {  	s2 =	sld [smem:$0x3FAC]  }
0x29: {  	s4 =	sld [smem:$0x3FAE]  }
0x2a: {  	p0 =	seq.s32 s5, $0x0;
	s5 =	sld [smem:$0x3FAF]  }
0x2b: {  	s6 =	sld [smem:$0x3FB0]  }
0x2c: {  	s7 =	sld [smem:$0x3FB1]  }
0x2d: {  	s3 =	simm.s32 $0x108;
	s8 =	sld [smem:$0x3FB2]  }
0x2e: {  	s3 =	simm.s32 @!p0 $0x1082;
	s9 =	sld [smem:$0x3FB3]  }
0x2f: {  	lr =	sadd.s32 s0, s3;
	s0 =	sld [smem:$0x3FAA]  }
0x30: {  	s3 =	sld [smem:$0x3FAD]  }
0x31: {  	[smem:$0x3FB6] =	sst s10  }
0x32: {  	s10 =	sld [smem:$0x3FB4];
	_ =	sdelay $0x3  }
0x33: {  	p0 =	seq.s32 s10, $0x1;
	s10 =	sld [smem:$0x3FB6];
	_ =	sdelay $0x3  }
0x34: {  	[smem:$0x3FB6] =	sst s10  }
0x35: {  	s10 =	sld [smem:$0x3FB5];
	_ =	sdelay $0x3  }
0x36: {  	p1 =	seq.s32 s10, $0x1;
	s10 =	sld [smem:$0x3FB6];
	_ =	sdelay $0x3  }
0x37: {  	[smem:$0x3FB6] =	sst s10  }
0x38: {  	s10 =	sld [smem:$0x3FB7]  }
0x39: {  	_ = 	snop;
	(pc) =	sbr.ind lr, $3  }
0x3a: {  	_ = 	snop  }
0x3b: {  	_ = 	snop  }
0x3c: {  	p2 =	seq.s32 s10, $0x1;
	s10 =	sld [smem:$0x3FB6]  }
0x3d: {  	_ =	shalt  }
0x3e: {  	_ =	shalt  }
0x3f: {  	_ =	shalt  }
0x40: {  	_ =	shalt  }
0x41: {  	_ =	shalt  }
0x42: {  	_ =	shalt  }
0x43: {  	_ =	shalt  }
0x44: {  	_ =	shalt  }
0x45: {  	_ =	shalt  }
0x46: {  	_ =	shalt  }
0x47: {  	_ =	shalt  }
0x48: {  	_ =	shalt  }
0x49: {  	_ =	shalt  }
0x4a: {  	_ =	shalt  }
0x4b: {  	_ =	shalt  }
0x4c: {  	_ =	shalt  }
0x4d: {  	_ =	shalt  }
0x4e: {  	_ =	shalt  }
0x4f: {  	_ =	shalt  }
0x50: {  	_ =	shalt  }
0x51: {  	_ =	shalt  }
0x52: {  	_ =	shalt  }
0x53: {  	_ =	shalt  }
0x54: {  	_ =	shalt  }
0x55: {  	_ =	shalt  }
0x56: {  	_ =	shalt  }
0x57: {  	_ =	shalt  }
0x58: {  	_ =	shalt  }
0x59: {  	_ =	shalt  }
0x5a: {  	_ =	shalt  }
0x5b: {  	_ =	shalt  }
0x5c: {  	_ =	shalt  }
0x5d: {  	_ =	shalt  }
0x5e: {  	_ =	shalt  }
0x5f: {  	_ =	shalt  }
0x60: {  	_ =	shalt  }
0x61: {  	_ =	shalt  }
0x62: {  	_ =	shalt  }
0x63: {  	_ =	shalt  }
0x64: {  	_ =	shalt  }
0x65: {  	_ =	shalt  }
0x66: {  	_ =	shalt  }
0x67: {  	_ =	shalt  }
0x68: {  	_ =	shalt  }
0x69: {  	_ =	shalt  }
0x6a: {  	_ =	shalt  }
0x6b: {  	_ =	shalt  }
0x6c: {  	_ =	shalt  }
0x6d: {  	_ =	shalt  }
0x6e: {  	_ =	shalt  }
0x6f: {  	_ =	shalt  }
0x70: {  	_ =	shalt  }
0x71: {  	_ =	shalt  }
0x72: {  	_ =	shalt  }
0x73: {  	_ =	shalt  }
0x74: {  	_ =	shalt  }
0x75: {  	_ =	shalt  }
0x76: {  	_ =	shalt  }
0x77: {  	_ =	shalt  }
0x78: {  	_ =	shalt  }
0x79: {  	_ =	shalt  }
0x7a: {  	_ =	shalt  }
0x7b: {  	_ =	shalt  }
0x7c: {  	_ =	shalt  }
0x7d: {  	_ =	shalt  }
0x7e: {  	_ =	shalt  }
0x7f: {  	_ =	shalt  }
0x80: {  	_ =	shalt  }
0x81: {  	_ =	shalt  }
0x82: {  	_ =	shalt  }
0x83: {  	_ =	shalt  }
0x84: {  	_ =	shalt  }
0x85: {  	_ =	shalt  }
0x86: {  	_ =	shalt  }
0x87: {  	_ =	shalt  }
.Lfunc_end0:
.L_simem_size_0:
called_computation_lowered:
.L_overlay_start_0:
0x88: {  	s2 =	sld [smem:$0x3FD9]  }
0x89: {  	s3 =	sld [smem:$0x3FFE];
	_ =	sdelay $0x1  }
0x8a: {  	s1 =	srdreg.scid  }
0x8b: {  	s0 =	sand.u32 $0x1, s1  }
0x8c: {  	s14 =	sshll.u32 s0, $0xA;
	s2 =	sadd.s32 s3, s2  }
0x8d: {  	s2 =	sadd.s32 s2, s14  }
0x8e: {  	[smem:$0x3FC2] =	sst s2  }
0x8f: {  	_ = 	snop  }
0x90: {  	s2 =	sld [smem:$0x3FD0];
	_ =	sdelay $0x2  }
0x91: {  	s15 =	simm.s32 $0xA;
	s4 =	simm.s32 $0x10  }
0x92: {  	[smem:s4], [sflag:s15] =	dma.local [hbm:s2], $0x1  }
0x93: {  	_ =	swait.eq [sflag:s15], $0x1  }
0x94: {  	[sflag:s15] =	ssyncset.done $0x0  }
0x95: {  	s16 =	sld [smem:$0x10];
	[sflag:s15] =	ssyncadd.s32 $0xFFFFFFFF  }
0x96: {  	s17 =	sld [smem:$0x12];
	(tm) =	ssettm $0x1  }
0x97: {  	s18 =	sld [smem:$0x3FFB];
	_ =	sdelay $0x3  }
0x98: {  	_ =	strace s18  }
0x99: {  	s4 =	sld [smem:$0x3FFC];
	_ =	sdelay $0x3  }
0x9a: {  	_ =	strace s4  }
0x9b: {  	s4 =	sld [smem:$0x3FFD];
	_ =	sdelay $0x3  }
0x9c: {  	_ =	strace s4  }
0x9d: {  	_ =	strace $0x8FFFFFFF  }
0x9e: {  	s19 =	sld [smem:$0x3FDB];
	_ =	sdelay $0x1  }
0x9f: {  	s5 =	simm.s32 $_scs_section_size  }
0xa0: {  	s6 =	simm.s32 $_size__tile_overlayer_lowered;
	s7 =	simm.s32 $_tile_overlayer_lowered  }
0xa1: {  	s22 =	simm.s32 $0x1BFF;
	s21 =	sshll.u32 s7, $0x1;
	s4 =	sadd.s32 s5, s19  }
0xa2: {  	s8 =	simm.s32 $0x0;
	s20 =	sshll.u32 s6, $0x1;
	s6 =	sadd.s32 s21, s4  }
0xa3: {  	[timem:s8], [sflag:s22] =	dma.local [hbm:s6], s20  }
0xa4: {  	_ =	swait.ge [sflag:s22], s20  }
0xa5: {  	s5 =	ssub.s32 $0x0, s20;
	[sflag:s22] =	ssyncset.done $0x0  }
0xa6: {  	[sflag:s22] =	ssyncadd.s32 s5;
	_ =	sdelay $0x1  }
0xa7: {  	s23 =	simm.s32 $0x1B8B  }
0xa8: {  	_ =	swait.ge [sflag:s23], $0x1  }
0xa9: {  	[sflag:s23] =	ssyncset.done $0x0  }
0xaa: {  	s25 =	simm.s32 $0x1B8E;
	s24 =	sld [smem:$0x3FFE];
	[sflag:s23] =	ssyncadd.s32 $0xFFFFFFFF  }
0xab: {  	s26 =	simm.s32 $execute0_lowered;
	[smem:$0x3FD2] =	sst s25  }
0xac: {  	s6 =	sshll.u32 s26, $0x1;
	_ =	strace $0x80000046;
	[dreg:$0x1] =	wrdreg $0xFFFFFFFF  }
0xad: {  	s28 =	simm.s32 $_size_execute0_lowered;
	s4 =	sadd.s32 s4, s6;
	[dreg:$0x0] =	wrdreg $0x0  }
0xae: {  	s6 =	sshll.u32 s28, $0x1;
	[dreg:$0x2] =	wrdreg s4  }
0xaf: {  	[dreg:$0x3] =	wrdreg s6  }
0xb0: {  	[dreg:$0x4] =	wrdreg $0xC0  }
0xb1: {  	_ =	task [dreg:s8], $0x5FFFF  }
0xb2: {  	[dreg:$0x1] =	wrdreg $0xFFFFFFFF  }
0xb3: {  	[dreg:$0x0] =	wrdreg $0x60  }
0xb4: {  	[dreg:$0x2] =	wrdreg s17  }
0xb5: {  	[dreg:$0x3] =	wrdreg s24  }
0xb6: {  	[dreg:$0x4] =	wrdreg s16  }
0xb7: {  	[dreg:$0x5] =	wrdreg $0x9  }
0xb8: {  	_ =	task.clear_ibuf [dreg:s8], $0x6FFFF;
	_ =	strace $0x90000046  }
0xb9: {  	s29 =	simm.s32 $0x9;
	_ =	strace $0x80000048  }
0xba: {  	_ =	swait.ge [sflag:s29], $0x1  }
0xbb: {  	[sflag:s29] =	ssyncadd.s32 $0xFFFFFFFF  }
0xbc: {  	_ =	strace $0x90000048  }
0xbd: {  	_ =	sfence  }
0xbe: {  	s30 =	sld [smem:$0x0];
	_ =	sdelay $0x2  }
0xbf: {  	s31 =	sshll.u32 s1, $0xD;
	s1 =	sshrl.u32 s1, $0x2  }
0xc0: {  	s3 =	sand.u32 $0x4000, s31;
	s1 =	sadd.s32 s1, s30  }
0xc1: {  	s0 =	sor.u32 s3, s0;
	s1 =	sshll.u32 s1, $0x11  }
0xc2: {  	s0 =	sor.u32 s1, s0  }
0xc3: {  	s0 =	sadd.s32 $0x8F2B, s0  }
0xc4: {  	[sflag:s0] =	ssyncadd.remote.s32 $0x1  }
0xc5: {  	_ =	sfence.sel $0xFFFF  }
0xc6: {  	[dreg:$0x0] =	wrdreg $0xFFFFFFFF;
	(pc) =	sbr.abs _section_cstart, $3  }
0xc7: {  	[dreg:$0x1] =	wrdreg $0xFFFFFFFF  }
0xc8: {  	_ =	task.clear_ibuf [dreg:s8], $0x2FFFF;
	_ =	strace $0x9FFFFFFF  }
0xc9: {  	(tm) =	ssettm $0x7FFFFFFF  }
tec
execute0_lowered:
.L_overlay_start_1:
0x0: {  	(tag) =	ssettag $0x1  }
0x1: {  	s1 =	rddreg [dreg:$0x0]  }
0x2: {  	s4 =	rddreg [dreg:$0x1];
	s2 =	srdreg.scid  }
0x3: {  	s0 =	stileid.u32;
	s5 =	rddreg [dreg:$0x2];
	s10 =	simm.s32 $0x1080  }
0x4: {  	s11 =	simm.s32 $0x1880;
	s12 =	simm.s32 $0x2080;
	s13 =	simm.s32 $0x2880  }
0x5: {  	s14 =	simm.s32 $0x3080;
	s15 =	simm.s32 $0x3880;
	s16 =	simm.s32 $0x4080  }
0x6: {  	s17 =	simm.s32 $0x4880;
	s18 =	simm.s32 $0x5080;
	s19 =	simm.s32 $0x5880  }
0x7: {  	s20 =	simm.s32 $0x6080;
	s6 =	sand.u32 $0x1, s2;
	s3 =	sshll.u32 s0, $0x1  }
0x8: {  	s21 =	simm.s32 $0x1;
	s2 =	rddreg [dreg:$0x3];
	s7 =	sor.u32 s6, s3  }
0x9: {  	s3 =	simm.s32 $0x0;
	s6 =	ssub.s32 $0x2, s6;
	s8 =	smul.u32 $0xD, s7  }
0xa: {  	[smem:$0x7FF] =	sst s3;
	s9 =	sshrl.u32 s6, $0x1;
	s7 =	smul.u32 $0xD00, s7  }
0xb: {  	v2 =	vlaneseq.u32;
	_ =	strace $0x80000047;
	s6 =	ssub.s32 s6, s9;
	s9 =	simm.s32 $0x880  }
0xc: {  	vm0 =	vmmov $0xffff;
	v1 =	vshrl.u32 v2, $0x3;
	s4 =	sadd.s32 s8, s4;
	s5 =	sadd.s32 s5, s7;
	s6 =	smax.u32 s6, $0x1  }
0xd: {  	v0 =	vand.u32 $0x7, v2;
	v2 =	vor.u32 $0x8, v2;
	v1 =	vmul.u32 $0x8, v1;
	s7 =	simm.s32 $0x2;
	s8 =	simm.s32 $0x80;
	s4 =	sadd.s32 $0x101600, s4  }
.LBB2_1:
0xe: {  	[tilespmem:s3], [sflag:$0x2] =	stream.linear.gather [hbm4b:s4+s3], $0x68, $0x38;
	[tilespmem:$0x6880] =	vst v63  }
0xf: {  	_ =	swait.ge [sflag:s7], $0x68  }
0x10: {  	[sflag:s7] =	ssyncset.done $0x0  }
0x11: {  	[sflag:s7] =	ssyncadd.s32 $0xFFFFFF98  }
0x12: {  	v3 =	vld [tilespmem:$0x0];
	_ =	sdelay $0x4  }
0x13: {  	v4 =	vshll.u32 v3, $0x1  }
0x14: {  	v3 =	vand.u32 $0x7, v3;
	v4 =	vand.u32 $0xFFFFFFF0, v4  }
0x15: {  	v3 =	vor.u32 v3, v4  }
0x16: {  	v4 =	vperm.xlane v3, v0;
	_ =	sdelay $0x1  }
0x17: {  	v3 =	vperm.xlane v3, v2;
	v4 =	vadd.s32 v1, v4;
	_ =	sdelay $0x1  }
0x18: {  	v3 =	vadd.s32 v1, v3;
	_ =	sdelay $0x2  }
0x19: {  	[tilespmem:s8], [sflag:$0x1] =	stream.indirect_vreg.gather [hbm4b:s1+s3], $0x80, v4, vm0, $0xb8;
	[tilespmem:$0x6880] =	vst v63  }
0x1a: {  	_ = 	snop  }
0x1b: {  	[tilespmem:s9], [sflag:$0x1] =	stream.indirect_vreg.gather [hbm4b:s1+s3], $0x80, v3, vm0, $0xb8;
	[tilespmem:$0x6880] =	vst v63  }
0x1c: {  	v3 =	vld [tilespmem:$0x10];
	_ =	sdelay $0x4  }
0x1d: {  	v58 =	vshll.u32 v3, $0x1  }
0x1e: {  	v3 =	vand.u32 $0x7, v3;
	v4 =	vand.u32 $0xFFFFFFF0, v58  }
0x1f: {  	v3 =	vor.u32 v3, v4  }
0x20: {  	v4 =	vperm.xlane v3, v0;
	_ =	sdelay $0x1  }
0x21: {  	v3 =	vperm.xlane v3, v2;
	v4 =	vadd.s32 v1, v4;
	_ =	sdelay $0x1  }
0x22: {  	v3 =	vadd.s32 v1, v3;
	_ =	sdelay $0x2  }
0x23: {  	[tilespmem:s10], [sflag:$0x1] =	stream.indirect_vreg.gather [hbm4b:s1+s3], $0x80, v4, vm0, $0xb8;
	[tilespmem:$0x6880] =	vst v63  }
0x24: {  	_ = 	snop  }
0x25: {  	[tilespmem:s11], [sflag:$0x1] =	stream.indirect_vreg.gather [hbm4b:s1+s3], $0x80, v3, vm0, $0xb8;
	[tilespmem:$0x6880] =	vst v63  }
0x26: {  	v3 =	vld [tilespmem:$0x20];
	_ =	sdelay $0x4  }
0x27: {  	v59 =	vshll.u32 v3, $0x1  }
0x28: {  	v3 =	vand.u32 $0x7, v3;
	v4 =	vand.u32 $0xFFFFFFF0, v59  }
0x29: {  	v3 =	vor.u32 v3, v4  }
0x2a: {  	v4 =	vperm.xlane v3, v0;
	_ =	sdelay $0x1  }
0x2b: {  	v3 =	vperm.xlane v3, v2;
	v4 =	vadd.s32 v1, v4;
	_ =	sdelay $0x1  }
0x2c: {  	v3 =	vadd.s32 v1, v3;
	_ =	sdelay $0x2  }
0x2d: {  	[tilespmem:s12], [sflag:$0x1] =	stream.indirect_vreg.gather [hbm4b:s1+s3], $0x80, v4, vm0, $0xb8;
	[tilespmem:$0x6880] =	vst v63  }
0x2e: {  	_ = 	snop  }
0x2f: {  	[tilespmem:s13], [sflag:$0x1] =	stream.indirect_vreg.gather [hbm4b:s1+s3], $0x80, v3, vm0, $0xb8;
	[tilespmem:$0x6880] =	vst v63  }
0x30: {  	v3 =	vld [tilespmem:$0x30];
	_ =	sdelay $0x4  }
0x31: {  	v60 =	vshll.u32 v3, $0x1  }
0x32: {  	v3 =	vand.u32 $0x7, v3;
	v4 =	vand.u32 $0xFFFFFFF0, v60  }
0x33: {  	v3 =	vor.u32 v3, v4  }
0x34: {  	v4 =	vperm.xlane v3, v0;
	_ =	sdelay $0x1  }
0x35: {  	v3 =	vperm.xlane v3, v2;
	v4 =	vadd.s32 v1, v4;
	_ =	sdelay $0x1  }
0x36: {  	v3 =	vadd.s32 v1, v3;
	_ =	sdelay $0x2  }
0x37: {  	[tilespmem:s14], [sflag:$0x1] =	stream.indirect_vreg.gather [hbm4b:s1+s3], $0x80, v4, vm0, $0xb8;
	[tilespmem:$0x6880] =	vst v63  }
0x38: {  	_ = 	snop  }
0x39: {  	[tilespmem:s15], [sflag:$0x1] =	stream.indirect_vreg.gather [hbm4b:s1+s3], $0x80, v3, vm0, $0xb8;
	[tilespmem:$0x6880] =	vst v63  }
0x3a: {  	v3 =	vld [tilespmem:$0x40];
	_ =	sdelay $0x4  }
0x3b: {  	v61 =	vshll.u32 v3, $0x1  }
0x3c: {  	v3 =	vand.u32 $0x7, v3;
	v4 =	vand.u32 $0xFFFFFFF0, v61  }
0x3d: {  	v3 =	vor.u32 v3, v4  }
0x3e: {  	v4 =	vperm.xlane v3, v0;
	_ =	sdelay $0x1  }
0x3f: {  	v3 =	vperm.xlane v3, v2;
	v4 =	vadd.s32 v1, v4;
	_ =	sdelay $0x1  }
0x40: {  	v3 =	vadd.s32 v1, v3;
	_ =	sdelay $0x2  }
0x41: {  	[tilespmem:s16], [sflag:$0x1] =	stream.indirect_vreg.gather [hbm4b:s1+s3], $0x80, v4, vm0, $0xb8;
	[tilespmem:$0x6880] =	vst v63  }
0x42: {  	_ = 	snop  }
0x43: {  	[tilespmem:s17], [sflag:$0x1] =	stream.indirect_vreg.gather [hbm4b:s1+s3], $0x80, v3, vm0, $0xb8;
	[tilespmem:$0x6880] =	vst v63  }
0x44: {  	v3 =	vld [tilespmem:$0x50];
	_ =	sdelay $0x4  }
0x45: {  	v62 =	vshll.u32 v3, $0x1  }
0x46: {  	v3 =	vand.u32 $0x7, v3;
	v4 =	vand.u32 $0xFFFFFFF0, v62  }
0x47: {  	v3 =	vor.u32 v3, v4  }
0x48: {  	v4 =	vperm.xlane v3, v0;
	_ =	sdelay $0x1  }
0x49: {  	v3 =	vperm.xlane v3, v2;
	v4 =	vadd.s32 v1, v4;
	_ =	sdelay $0x1  }
0x4a: {  	v3 =	vadd.s32 v1, v3;
	_ =	sdelay $0x2  }
0x4b: {  	[tilespmem:s18], [sflag:$0x1] =	stream.indirect_vreg.gather [hbm4b:s1+s3], $0x80, v4, vm0, $0xb8;
	[tilespmem:$0x6880] =	vst v63  }
0x4c: {  	_ = 	snop  }
0x4d: {  	[tilespmem:s19], [sflag:$0x1] =	stream.indirect_vreg.gather [hbm4b:s1+s3], $0x80, v3, vm0, $0xb8;
	[tilespmem:$0x6880] =	vst v63  }
0x4e: {  	v3 =	vld.msk [tilespmem:$0x60], $0xff;
	_ =	sdelay $0x4  }
0x4f: {  	v63 =	vshll.u32 v3, $0x1  }
0x50: {  	v3 =	vand.u32 $0x7, v3;
	v4 =	vand.u32 $0xFFFFFFF0, v63  }
0x51: {  	v3 =	vor.u32 v3, v4  }
0x52: {  	v3 =	vperm.xlane v3, v0;
	_ =	sdelay $0x1  }
0x53: {  	v3 =	vadd.s32 v1, v3;
	_ =	sdelay $0x4  }
0x54: {  	[tilespmem:s20], [sflag:$0x1] =	stream.indirect_vreg.gather [hbm4b:s1+s3], $0x80, v3, vm0, $0xb8;
	[tilespmem:$0x6880] =	vst v63  }
0x55: {  	_ =	swait.ge [sflag:s21], $0x6800  }
0x56: {  	p0 =	sne.s32 s6, $0x1;
	[sflag:s21] =	ssyncset.done $0x0  }
.Ltmp0:
0x57: {  	[sflag:s21] =	ssyncadd.s32 $0xFFFF9800;
	(pc) =	sbr.rel @p0 .LBB2_1-.Ltmp0, $4  }
0x58: {  	[hbm4b:s5+s3] =	stream.linear.scatter [tilespmem:s8], [sflag:$0x2], $0x6800, $0x38;
	[tilespmem:$0x6880] =	vst v63  }
0x59: {  	_ =	swait.ge [sflag:s7], $0x6800  }
0x5a: {  	[sflag:s7] =	ssyncset.done $0x0  }
0x5b: {  	s6 =	sadd.s32 $0xFFFFFFFF, s6;
	[sflag:s7] =	ssyncadd.s32 $0xFFFF9800  }
0x5c: {  	_ =	sfence.sel $0x180000  }
0x5d: {  	[bflag:$0x0] =	sbarrier.arrive $0xFFFF  }
0x5e: {  	p0 =	sne.s32 s0, $0x0;
	_ =	strace $0x90000047  }
0x5f: {  	s0 =	sadd.s32 @!p0 $0x100000, s2;
	[bflag:$0x2] =	sbarrier.arrive $0xFFFF  }
0x60: {  	[sflag:s0] =	ssyncadd.tile.s32 @!p0 $0x1;
	_ =	shalt  }
.Lfunc_end2:
_tile_overlayer_lowered:
.L_overlay_start_2:
0x61: {  	(tag) =	ssettag $0x2  }
0x62: {  	s0 =	rddreg [dreg:$0x0];
	s2 =	stileid.u32  }
0x63: {  	s1 =	rddreg [dreg:$0x1];
	p0 =	sne.s32 s2, $0x0  }
0x64: {  	s3 =	rddreg [dreg:$0x2];
	[bflag:$0x3] =	sbarrier.arrive $0xFFFF;
	s2 =	simm.s32 @!p0 $0x1C02  }
0x65: {  	[timem:s3], [sflag:s2] =	dma.local @!p0 [hbm:s0], s1  }
0x66: {  	s0 =	simm.s32 @!p0 $0x2  }
0x67: {  	_ =	swait.ge @!p0 [sflag:s0], s1  }
0x68: {  	s1 =	ssub.s32 @!p0 $0x0, s1;
	[sflag:s0] =	ssyncset.done @!p0 $0x0  }
0x69: {  	[sflag:s0] =	ssyncadd.s32 @!p0 s1  }
0x6a: {  	[bflag:$0x3] =	sbarrier.arrive $0xFFFF  }
0x6b: {  	_ =	shalt  }

</sc_bundles>
